<compile_context>
chip_gen: v7x
topology: tpu7x:2x2x1
jax: 0.10.2.dev20260603
libtpu: 0.0.44.dev20260713+nightly
codegen_flags: <defaults>
</compile_context>

<pallas_src>
import functools

import jax
import jax.numpy as jnp
from jax import lax
from jax.experimental import pallas as pl
from jax.experimental.pallas import tpu as pltpu
from jax.experimental.pallas import tpu_sc as plsc

N = 10000
E = 320000
D = 128

NC = 2
NS = 16
NW = NC * NS

CH = 128
C0 = 118
C1 = 40
CMAX = C0
E_PAD = NS * CH * (C0 + C1)
N_ACC = N + 112
RPT = N_ACC // NS

ROWS_BLK = 2000
NB = N // ROWS_BLK


def _mm_body(x_ref, awt_ref, ab_ref, bwt_ref, bb_ref, ax_ref, bx_ref):
    x = x_ref[...]
    ax_ref[...] = (
        jnp.dot(x, awt_ref[...], preferred_element_type=jnp.float32) + ab_ref[...]
    )
    bx_ref[...] = (
        jnp.dot(x, bwt_ref[...], preferred_element_type=jnp.float32) + bb_ref[...]
    )


def _matmuls(X, A_wT, A_b2, B_wT, B_b2):
    return pl.pallas_call(
        _mm_body,
        grid=(NB,),
        in_specs=[
            pl.BlockSpec((ROWS_BLK, D), lambda i: (i, 0)),
            pl.BlockSpec((D, D), lambda i: (0, 0)),
            pl.BlockSpec((1, D), lambda i: (0, 0)),
            pl.BlockSpec((D, D), lambda i: (0, 0)),
            pl.BlockSpec((1, D), lambda i: (0, 0)),
        ],
        out_specs=[
            pl.BlockSpec((ROWS_BLK, D), lambda i: (i, 0)),
            pl.BlockSpec((ROWS_BLK, D), lambda i: (i, 0)),
        ],
        out_shape=[
            jax.ShapeDtypeStruct((N, D), jnp.float32),
            jax.ShapeDtypeStruct((N, D), jnp.float32),
        ],
    )(X, A_wT, A_b2, B_wT, B_b2)


@functools.cache
def _make_sc_agg():
    @functools.partial(
        pl.kernel,
        out_type=jax.ShapeDtypeStruct((NC, N_ACC, D), jnp.float32),
        mesh=plsc.VectorSubcoreMesh(core_axis_name="c", subcore_axis_name="s"),
        scratch_types=[
            pltpu.VMEM((CMAX, CH), jnp.int32),
            pltpu.VMEM((CMAX, CH), jnp.int32),
            pltpu.VMEM((CH, D), jnp.float32),
            pltpu.VMEM_SHARED((N_ACC, D), jnp.float32),
            pltpu.SemaphoreType.DMA,
        ],
    )
    def _sc_agg(bx_hbm, src_hbm, dst_hbm, zeros_hbm, out_hbm,
                src_v, dst_v, rows_v, acc_sh, sem):
        cid = lax.axis_index("c")
        sid = lax.axis_index("s")
        r0 = sid * RPT
        pltpu.sync_copy(src_hbm.at[cid, sid], src_v)
        pltpu.sync_copy(dst_hbm.at[cid, sid], dst_v)
        pltpu.sync_copy(zeros_hbm.at[pl.ds(r0, RPT)], acc_sh.at[pl.ds(r0, RPT)])
        plsc.subcore_barrier()

        nchunks = jnp.where(cid == 0, C0, C1)

        @pl.loop(0, nchunks)
        def _(j):
            pltpu.async_copy(bx_hbm.at[src_v.at[j]], rows_v, sem).wait()
            pltpu.sync_copy(rows_v, acc_sh.at[dst_v.at[j]], add=True)

        plsc.subcore_barrier()
        pltpu.sync_copy(acc_sh.at[pl.ds(r0, RPT)], out_hbm.at[cid, pl.ds(r0, RPT)])

    return _sc_agg


def _post_body(ax_ref, p0_ref, p1_ref, sn_ref, x_ref, g_ref, b_ref, dep_ref,
               out_ref, sum_ref, sq_ref):
    ph = pl.program_id(0)
    i = pl.program_id(1)
    hpre = (ax_ref[...] + p0_ref[0] + p1_ref[0]) * sn_ref[...]

    @pl.when(jnp.logical_and(ph == 0, i == 0))
    def _():
        sum_ref[...] = jnp.zeros_like(sum_ref)
        sq_ref[...] = jnp.zeros_like(sq_ref)

    @pl.when(ph == 0)
    def _():
        sum_ref[...] += jnp.sum(hpre, axis=0, keepdims=True)
        sq_ref[...] += jnp.sum(hpre * hpre, axis=0, keepdims=True)

    @pl.when(ph == 1)
    def _():
        mean = sum_ref[...] * (1.0 / N)
        var = sq_ref[...] * (1.0 / N) - mean * mean
        scale = lax.rsqrt(var + 1e-5) * g_ref[...]
        h = (hpre - mean) * scale + b_ref[...]
        out_ref[...] = x_ref[...] + jnp.maximum(h, 0.0)


def _post(AX, parts, snorm_n, X, g2, b2, dep):
    return pl.pallas_call(
        _post_body,
        grid=(2, NB),
        in_specs=[
            pl.BlockSpec((ROWS_BLK, D), lambda p, i: (i, 0)),
            pl.BlockSpec((1, ROWS_BLK, D), lambda p, i: (0, i, 0)),
            pl.BlockSpec((1, ROWS_BLK, D), lambda p, i: (1, i, 0)),
            pl.BlockSpec((ROWS_BLK, 1), lambda p, i: (i, 0)),
            pl.BlockSpec((ROWS_BLK, D), lambda p, i: (i, 0)),
            pl.BlockSpec((1, D), lambda p, i: (0, 0)),
            pl.BlockSpec((1, D), lambda p, i: (0, 0)),
            pl.BlockSpec((8, D), lambda p, i: (0, 0)),
        ],
        out_specs=pl.BlockSpec((ROWS_BLK, D), lambda p, i: (i, 0)),
        out_shape=jax.ShapeDtypeStruct((N, D), jnp.float32),
        scratch_shapes=[
            pltpu.VMEM((1, D), jnp.float32),
            pltpu.VMEM((1, D), jnp.float32),
        ],
    )(AX, parts, parts, snorm_n, X, g2, b2, dep)


EB = 8000


def _ex_body(dummy_ref, ex_ref, out_ref):
    out_ref[...] = ex_ref[...]


def _ex_copy(E_X, BX):
    return pl.pallas_call(
        _ex_body,
        grid=(E // EB,),
        in_specs=[
            pl.BlockSpec((8, D), lambda i: (0, 0)),
            pl.BlockSpec((EB, D), lambda i: (i, 0)),
        ],
        out_specs=pl.BlockSpec((EB, D), lambda i: (i, 0)),
        out_shape=jax.ShapeDtypeStruct((E, D), jnp.float32),
    )(BX[:8], E_X)


def kernel(X, edge_index, E_X, snorm_n, snorm_e, A_w, A_b, B_w, B_b, gamma_h, beta_h):
    src = edge_index[0]
    dst = edge_index[1]
    pad = E_PAD - E
    E0 = NS * C0 * CH

    def split(full):
        p0 = full[:E0].reshape(NS, C0, CH)
        p1 = full[E0:].reshape(NS, C1, CH)
        p1 = jnp.pad(p1, ((0, 0), (0, CMAX - C1), (0, 0)))
        return jnp.stack([p0, p1])

    trash = N + jnp.arange(pad, dtype=dst.dtype) % (N_ACC - N)
    src_p = split(jnp.concatenate([src, jnp.zeros((pad,), src.dtype)]))
    dst_p = split(jnp.concatenate([dst, trash]))
    zeros = jnp.zeros((N_ACC, D), jnp.float32)

    AX, BX = _matmuls(X, A_w.T, A_b.reshape(1, D), B_w.T, B_b.reshape(1, D))
    parts = _make_sc_agg()(BX, src_p, dst_p, zeros)
    E_out = _ex_copy(E_X, BX)
    H = _post(AX, parts, snorm_n, X,
              gamma_h.reshape(1, D), beta_h.reshape(1, D), E_out[:8])
    return (H, E_out)

# --- scband reference (transcript-rebuilt; emitter-appended) ---
"""Pipeline reference for scband-normal-gcn-layer-79199196938454 (READ-ONLY COPY).

The authoritative reference and input builder live on the scoring server;
editing this copy changes nothing except your own understanding.
"""

import jax, jax.numpy as jnp
import numpy as np

N_NODES = 10000
N_EDGES = 320000
D = 128

def setup_inputs(seed: int = 0) -> dict:
    key = jax.random.key(seed)
    ks = jax.random.split(key, 10)
    X = jax.random.normal(ks[0], (N_NODES, D), dtype=jnp.float32)
    edge_index = jax.random.randint(ks[1], (2, N_EDGES), 0, N_NODES)
    E_X = jax.random.normal(ks[2], (N_EDGES, D), dtype=jnp.float32)
    snorm_n = jax.random.uniform(ks[3], (N_NODES, 1), dtype=jnp.float32)
    snorm_e = jax.random.uniform(ks[4], (N_EDGES, 1), dtype=jnp.float32)
    s = 1.0 / np.sqrt(D)
    A_w = jax.random.uniform(ks[5], (D, D), minval=-s, maxval=s, dtype=jnp.float32)
    A_b = jax.random.uniform(ks[6], (D,), minval=-s, maxval=s, dtype=jnp.float32)
    B_w = jax.random.uniform(ks[7], (D, D), minval=-s, maxval=s, dtype=jnp.float32)
    B_b = jax.random.uniform(ks[8], (D,), minval=-s, maxval=s, dtype=jnp.float32)
    gamma_h = jnp.ones((D,), dtype=jnp.float32)
    beta_h = jnp.zeros((D,), dtype=jnp.float32)
    return {"X": X, "edge_index": edge_index, "E_X": E_X, "snorm_n": snorm_n,
            "snorm_e": snorm_e, "A_w": A_w, "A_b": A_b, "B_w": B_w, "B_b": B_b,
            "gamma_h": gamma_h, "beta_h": beta_h}

def reference(X, edge_index, E_X, snorm_n, snorm_e, A_w, A_b, B_w, B_b, gamma_h, beta_h):
    # DGL semantics: message from src node ('BX' of src), reduced (summed) at dst node.
    src = edge_index[0]
    dst = edge_index[1]
    AX = X @ A_w.T + A_b          # self.A(X)
    BX = X @ B_w.T + B_b          # self.B(X)
    agg = jax.ops.segment_sum(BX[src], dst, num_segments=X.shape[0])  # sum of Bx_j over mailbox
    H = AX + agg                  # reduce_func: Ax + sum(Bx_j)
    H = H * snorm_n               # H *= snorm_n
    # BatchNorm1d in training mode (batch statistics, biased variance, eps=1e-5)
    mean = jnp.mean(H, axis=0)
    var = jnp.var(H, axis=0)
    H = (H - mean) / jnp.sqrt(var + 1e-5) * gamma_h + beta_h
    H = jax.nn.relu(H)
    H = X + H                     # residual
    return (H, E_X)

if __name__ == "__main__":
    import jax
    _d = setup_inputs()
    print(jax.jit(kernel)(*tuple(_d.values())))

</pallas_src>

<mosaic_0001>
#map = affine_map<(d0, d1) -> (0, 0)>
#map1 = affine_map<(d0, d1) -> (0, 0, 0, 0)>
#map2 = affine_map<(d0, d1) -> (0, 0, 0)>
module attributes {stable_mosaic.version = 14 : i64} {
  func.func @_sc_agg(%arg0: i32, %arg1: i32, %arg2: memref<10000x128xf32, #tpu.memory_space<hbm>>, %arg3: memref<2x16x118x128xi32, #tpu.memory_space<hbm>>, %arg4: memref<2x16x118x128xi32, #tpu.memory_space<hbm>>, %arg5: memref<10112x128xf32, #tpu.memory_space<hbm>>, %arg6: memref<2x10112x128xf32, #tpu.memory_space<hbm>>, %arg7: memref<118x128xi32, #tpu.memory_space<vmem>>, %arg8: memref<118x128xi32, #tpu.memory_space<vmem>>, %arg9: memref<128x128xf32, #tpu.memory_space<vmem>>, %arg10: memref<10112x128xf32, #tpu.memory_space<vmem_shared>>, %arg11: memref<!tpu.dma_semaphore, #tpu.memory_space<semaphore_mem>>) attributes {dimension_semantics = [#tpu.dimension_semantics<core_parallel>, #tpu.dimension_semantics<subcore_parallel>], iteration_bounds = array<i64: 2, 16>, scalar_prefetch = 0 : i64, scratch_operands = 5 : i64, tpu.core_type = #tpu.core_type<sc_vector_subcore>, window_params = [{transform_indices = #map}, {transform_indices = #map1}, {transform_indices = #map1}, {transform_indices = #map}, {transform_indices = #map2}]} {
    %mul3A = arith.constant 632 : i32
    %mul3A_0 = arith.muli %arg1, %mul3A : i32
    "tpu.region"() ({
      %run_scoped3A = tpu.sem_alloc : memref<!tpu.dma_semaphore, #tpu.memory_space<semaphore_mem>>
      %dma_start3A = arith.constant 0 : i32
      %dma_start3A_19 = arith.constant 0 : i32
      %dma_start3A_20 = tpu.memref_slice %arg3[%arg0, %arg1, %dma_start3A, %dma_start3A_19] : memref<2x16x118x128xi32, #tpu.memory_space<hbm>> -> memref<1x1x118x128xi32, #tpu.memory_space<hbm>>
      %dma_start3A_21 = tpu.memref_squeeze %dma_start3A_20 : memref<1x1x118x128xi32, #tpu.memory_space<hbm>> -> memref<118x128xi32, #tpu.memory_space<hbm>>
      %dma_start3A_22 = arith.constant 0 : i32
      %dma_start3A_23 = arith.constant 0 : i32
      %dma_start3A_24 = tpu.memref_slice %arg3[%arg0, %arg1, %dma_start3A_22, %dma_start3A_23] : memref<2x16x118x128xi32, #tpu.memory_space<hbm>> -> memref<1x1x118x128xi32, #tpu.memory_space<hbm>>
      %dma_start3A_25 = tpu.memref_squeeze %dma_start3A_24 : memref<1x1x118x128xi32, #tpu.memory_space<hbm>> -> memref<118x128xi32, #tpu.memory_space<hbm>>
      tpu.enqueue_dma source(%dma_start3A_25 : memref<118x128xi32, #tpu.memory_space<hbm>>) target(%arg7 : memref<118x128xi32, #tpu.memory_space<vmem>>) target_semaphore(%run_scoped3A : memref<!tpu.dma_semaphore, #tpu.memory_space<semaphore_mem>>)
      %dma_wait3A = arith.constant 0 : i32
      %dma_wait3A_26 = arith.constant 0 : i32
      %dma_wait3A_27 = tpu.memref_slice %arg3[%arg0, %arg1, %dma_wait3A, %dma_wait3A_26] : memref<2x16x118x128xi32, #tpu.memory_space<hbm>> -> memref<1x1x118x128xi32, #tpu.memory_space<hbm>>
      %dma_wait3A_28 = tpu.memref_squeeze %dma_wait3A_27 : memref<1x1x118x128xi32, #tpu.memory_space<hbm>> -> memref<118x128xi32, #tpu.memory_space<hbm>>
      %dma_wait3A_29 = arith.constant 0 : i32
      %dma_wait3A_30 = arith.constant 0 : i32
      %dma_wait3A_31 = tpu.memref_slice %arg3[%arg0, %arg1, %dma_wait3A_29, %dma_wait3A_30] : memref<2x16x118x128xi32, #tpu.memory_space<hbm>> -> memref<1x1x118x128xi32, #tpu.memory_space<hbm>>
      %dma_wait3A_32 = tpu.memref_squeeze %dma_wait3A_31 : memref<1x1x118x128xi32, #tpu.memory_space<hbm>> -> memref<118x128xi32, #tpu.memory_space<hbm>>
      tpu.wait_dma2 semaphore(%run_scoped3A : memref<!tpu.dma_semaphore, #tpu.memory_space<semaphore_mem>>) src(%dma_wait3A_32 : memref<118x128xi32, #tpu.memory_space<hbm>>) dst(%arg7 : memref<118x128xi32, #tpu.memory_space<vmem>>)
      tpu.yield
    }) : () -> ()
    "tpu.region"() ({
      %run_scoped3A = tpu.sem_alloc : memref<!tpu.dma_semaphore, #tpu.memory_space<semaphore_mem>>
      %dma_start3A = arith.constant 0 : i32
      %dma_start3A_19 = arith.constant 0 : i32
      %dma_start3A_20 = tpu.memref_slice %arg4[%arg0, %arg1, %dma_start3A, %dma_start3A_19] : memref<2x16x118x128xi32, #tpu.memory_space<hbm>> -> memref<1x1x118x128xi32, #tpu.memory_space<hbm>>
      %dma_start3A_21 = tpu.memref_squeeze %dma_start3A_20 : memref<1x1x118x128xi32, #tpu.memory_space<hbm>> -> memref<118x128xi32, #tpu.memory_space<hbm>>
      %dma_start3A_22 = arith.constant 0 : i32
      %dma_start3A_23 = arith.constant 0 : i32
      %dma_start3A_24 = tpu.memref_slice %arg4[%arg0, %arg1, %dma_start3A_22, %dma_start3A_23] : memref<2x16x118x128xi32, #tpu.memory_space<hbm>> -> memref<1x1x118x128xi32, #tpu.memory_space<hbm>>
      %dma_start3A_25 = tpu.memref_squeeze %dma_start3A_24 : memref<1x1x118x128xi32, #tpu.memory_space<hbm>> -> memref<118x128xi32, #tpu.memory_space<hbm>>
      tpu.enqueue_dma source(%dma_start3A_25 : memref<118x128xi32, #tpu.memory_space<hbm>>) target(%arg8 : memref<118x128xi32, #tpu.memory_space<vmem>>) target_semaphore(%run_scoped3A : memref<!tpu.dma_semaphore, #tpu.memory_space<semaphore_mem>>)
      %dma_wait3A = arith.constant 0 : i32
      %dma_wait3A_26 = arith.constant 0 : i32
      %dma_wait3A_27 = tpu.memref_slice %arg4[%arg0, %arg1, %dma_wait3A, %dma_wait3A_26] : memref<2x16x118x128xi32, #tpu.memory_space<hbm>> -> memref<1x1x118x128xi32, #tpu.memory_space<hbm>>
      %dma_wait3A_28 = tpu.memref_squeeze %dma_wait3A_27 : memref<1x1x118x128xi32, #tpu.memory_space<hbm>> -> memref<118x128xi32, #tpu.memory_space<hbm>>
      %dma_wait3A_29 = arith.constant 0 : i32
      %dma_wait3A_30 = arith.constant 0 : i32
      %dma_wait3A_31 = tpu.memref_slice %arg4[%arg0, %arg1, %dma_wait3A_29, %dma_wait3A_30] : memref<2x16x118x128xi32, #tpu.memory_space<hbm>> -> memref<1x1x118x128xi32, #tpu.memory_space<hbm>>
      %dma_wait3A_32 = tpu.memref_squeeze %dma_wait3A_31 : memref<1x1x118x128xi32, #tpu.memory_space<hbm>> -> memref<118x128xi32, #tpu.memory_space<hbm>>
      tpu.wait_dma2 semaphore(%run_scoped3A : memref<!tpu.dma_semaphore, #tpu.memory_space<semaphore_mem>>) src(%dma_wait3A_32 : memref<118x128xi32, #tpu.memory_space<hbm>>) dst(%arg8 : memref<118x128xi32, #tpu.memory_space<vmem>>)
      tpu.yield
    }) : () -> ()
    "tpu.region"() ({
      %run_scoped3A = tpu.sem_alloc : memref<!tpu.dma_semaphore, #tpu.memory_space<semaphore_mem>>
      %dma_start3A = arith.constant 0 : i32
      %dma_start3A_19 = tpu.memref_slice %arg10[%mul3A_0, %dma_start3A] : memref<10112x128xf32, #tpu.memory_space<vmem_shared>> -> memref<632x128xf32, #tpu.memory_space<vmem_shared>>
      %dma_start3A_20 = arith.constant 0 : i32
      %dma_start3A_21 = tpu.memref_slice %arg5[%mul3A_0, %dma_start3A_20] : memref<10112x128xf32, #tpu.memory_space<hbm>> -> memref<632x128xf32, #tpu.memory_space<hbm>>
      tpu.enqueue_dma source(%dma_start3A_21 : memref<632x128xf32, #tpu.memory_space<hbm>>) target(%dma_start3A_19 : memref<632x128xf32, #tpu.memory_space<vmem_shared>>) target_semaphore(%run_scoped3A : memref<!tpu.dma_semaphore, #tpu.memory_space<semaphore_mem>>)
      %dma_wait3A = arith.constant 0 : i32
      %dma_wait3A_22 = tpu.memref_slice %arg10[%mul3A_0, %dma_wait3A] : memref<10112x128xf32, #tpu.memory_space<vmem_shared>> -> memref<632x128xf32, #tpu.memory_space<vmem_shared>>
      %dma_wait3A_23 = arith.constant 0 : i32
      %dma_wait3A_24 = tpu.memref_slice %arg5[%mul3A_0, %dma_wait3A_23] : memref<10112x128xf32, #tpu.memory_space<hbm>> -> memref<632x128xf32, #tpu.memory_space<hbm>>
      tpu.wait_dma2 semaphore(%run_scoped3A : memref<!tpu.dma_semaphore, #tpu.memory_space<semaphore_mem>>) src(%dma_wait3A_24 : memref<632x128xf32, #tpu.memory_space<hbm>>) dst(%dma_wait3A_22 : memref<632x128xf32, #tpu.memory_space<vmem_shared>>)
      tpu.yield
    }) : () -> ()
    %barrier3A = arith.constant 0 : index
    tpu.barrier barrier_id(%barrier3A)
    %eq3A = arith.constant 0 : i32
    %eq3A_1 = arith.cmpi eq, %arg0, %eq3A : i32
    %jit3A = arith.constant 118 : i32
    %jit3A_2 = arith.constant 40 : i32
    %select_n3A = arith.select %eq3A_1, %jit3A, %jit3A_2 : i32
    %sub3A = arith.constant 0 : i32
    %sub3A_3 = arith.subi %select_n3A, %sub3A : i32
    %sub3A_4 = arith.constant 1 : i32
    %sub3A_5 = arith.constant 1 : i32
    %sub3A_6 = arith.subi %sub3A_4, %sub3A_5 : i32
    %add3A = arith.addi %sub3A_3, %sub3A_6 : i32
    %div3A = arith.constant 1 : i32
    %div3A_7 = arith.divsi %add3A, %div3A : i32
    %while3A = arith.constant 1 : i32
    %while3A_8 = arith.constant 0 : i32
    %while3A_9 = arith.constant 0 : i32
    %while3A_10 = arith.subi %div3A_7, %while3A_9 : i32
    %while3A_11 = arith.addi %while3A_9, %while3A_10 : i32
    %while3A_12 = arith.constant 1 : i32
    %while3A_13 = arith.divsi %while3A_10, %while3A_12 : i32
    %while3A_14 = arith.muli %while3A_13, %while3A_12 : i32
    %while3A_15 = arith.addi %while3A_9, %while3A_14 : i32
    %while3A_16 = arith.constant 1 : i32
    scf.for %while3A_19 = %while3A_9 to %while3A_15 step %while3A_16  : i32 {
      %mul3A_20 = arith.muli %while3A_19, %while3A : i32
      %add3A_21 = arith.addi %while3A_8, %mul3A_20 : i32
      %dma_start3A = arith.constant 0 : i32
      %dma_start3A_22 = tpu.memref_slice %arg7[%add3A_21, %dma_start3A] : memref<118x128xi32, #tpu.memory_space<vmem>> -> memref<1x128xi32, #tpu.memory_space<vmem>>
      %dma_start3A_23 = tpu.memref_squeeze %dma_start3A_22 : memref<1x128xi32, #tpu.memory_space<vmem>> -> memref<128xi32, #tpu.memory_space<vmem>>
      %dma_start3A_24 = arith.constant 0 : i32
      %dma_start3A_25 = arith.constant 0 : i32
      %dma_start3A_26 = tpu.memref_slice %arg2[%dma_start3A_24, %dma_start3A_25] : memref<10000x128xf32, #tpu.memory_space<hbm>> -> memref<10000x128xf32, #tpu.memory_space<hbm>>
      tpu.enqueue_indirect_dma source(%dma_start3A_26 : memref<10000x128xf32, #tpu.memory_space<hbm>>) target(%arg9 : memref<128x128xf32, #tpu.memory_space<vmem>>) offsets(%dma_start3A_23 : memref<128xi32, #tpu.memory_space<vmem>>) semaphore(%arg11 : memref<!tpu.dma_semaphore, #tpu.memory_space<semaphore_mem>>)
      %dma_wait3A = arith.constant 0 : i32
      %dma_wait3A_27 = tpu.memref_slice %arg7[%add3A_21, %dma_wait3A] : memref<118x128xi32, #tpu.memory_space<vmem>> -> memref<1x128xi32, #tpu.memory_space<vmem>>
      %dma_wait3A_28 = tpu.memref_squeeze %dma_wait3A_27 : memref<1x128xi32, #tpu.memory_space<vmem>> -> memref<128xi32, #tpu.memory_space<vmem>>
      %dma_wait3A_29 = arith.constant 0 : i32
      %dma_wait3A_30 = arith.constant 0 : i32
      %dma_wait3A_31 = tpu.memref_slice %arg2[%dma_wait3A_29, %dma_wait3A_30] : memref<10000x128xf32, #tpu.memory_space<hbm>> -> memref<10000x128xf32, #tpu.memory_space<hbm>>
      tpu.wait_indirect_dma semaphore(%arg11 : memref<!tpu.dma_semaphore, #tpu.memory_space<semaphore_mem>>) src(%dma_wait3A_31 : memref<10000x128xf32, #tpu.memory_space<hbm>>) dst(%arg9 : memref<128x128xf32, #tpu.memory_space<vmem>>)
      "tpu.region"() ({
        %run_scoped3A = tpu.sem_alloc : memref<!tpu.dma_semaphore, #tpu.memory_space<semaphore_mem>>
        %dma_start3A_32 = arith.constant 0 : i32
        %dma_start3A_33 = tpu.memref_slice %arg8[%add3A_21, %dma_start3A_32] : memref<118x128xi32, #tpu.memory_space<vmem>> -> memref<1x128xi32, #tpu.memory_space<vmem>>
        %dma_start3A_34 = tpu.memref_squeeze %dma_start3A_33 : memref<1x128xi32, #tpu.memory_space<vmem>> -> memref<128xi32, #tpu.memory_space<vmem>>
        %dma_start3A_35 = arith.constant 0 : i32
        %dma_start3A_36 = arith.constant 0 : i32
        %dma_start3A_37 = tpu.memref_slice %arg10[%dma_start3A_35, %dma_start3A_36] : memref<10112x128xf32, #tpu.memory_space<vmem_shared>> -> memref<10112x128xf32, #tpu.memory_space<vmem_shared>>
        tpu.enqueue_indirect_dma source(%arg9 : memref<128x128xf32, #tpu.memory_space<vmem>>) target(%dma_start3A_37 : memref<10112x128xf32, #tpu.memory_space<vmem_shared>>) offsets(%dma_start3A_34 : memref<128xi32, #tpu.memory_space<vmem>>) semaphore(%run_scoped3A : memref<!tpu.dma_semaphore, #tpu.memory_space<semaphore_mem>>) {add = true}
        %dma_wait3A_38 = arith.constant 0 : i32
        %dma_wait3A_39 = tpu.memref_slice %arg8[%add3A_21, %dma_wait3A_38] : memref<118x128xi32, #tpu.memory_space<vmem>> -> memref<1x128xi32, #tpu.memory_space<vmem>>
        %dma_wait3A_40 = tpu.memref_squeeze %dma_wait3A_39 : memref<1x128xi32, #tpu.memory_space<vmem>> -> memref<128xi32, #tpu.memory_space<vmem>>
        %dma_wait3A_41 = arith.constant 0 : i32
        %dma_wait3A_42 = arith.constant 0 : i32
        %dma_wait3A_43 = tpu.memref_slice %arg10[%dma_wait3A_41, %dma_wait3A_42] : memref<10112x128xf32, #tpu.memory_space<vmem_shared>> -> memref<10112x128xf32, #tpu.memory_space<vmem_shared>>
        tpu.wait_indirect_dma semaphore(%run_scoped3A : memref<!tpu.dma_semaphore, #tpu.memory_space<semaphore_mem>>) src(%arg9 : memref<128x128xf32, #tpu.memory_space<vmem>>) dst(%dma_wait3A_43 : memref<10112x128xf32, #tpu.memory_space<vmem_shared>>)
        tpu.yield
      }) : () -> ()
    }
    %while3A_17 = arith.constant 1 : i32
    scf.for %while3A_19 = %while3A_15 to %while3A_11 step %while3A_17  : i32 {
      %mul3A_20 = arith.muli %while3A_19, %while3A : i32
      %add3A_21 = arith.addi %while3A_8, %mul3A_20 : i32
      %dma_start3A = arith.constant 0 : i32
      %dma_start3A_22 = tpu.memref_slice %arg7[%add3A_21, %dma_start3A] : memref<118x128xi32, #tpu.memory_space<vmem>> -> memref<1x128xi32, #tpu.memory_space<vmem>>
      %dma_start3A_23 = tpu.memref_squeeze %dma_start3A_22 : memref<1x128xi32, #tpu.memory_space<vmem>> -> memref<128xi32, #tpu.memory_space<vmem>>
      %dma_start3A_24 = arith.constant 0 : i32
      %dma_start3A_25 = arith.constant 0 : i32
      %dma_start3A_26 = tpu.memref_slice %arg2[%dma_start3A_24, %dma_start3A_25] : memref<10000x128xf32, #tpu.memory_space<hbm>> -> memref<10000x128xf32, #tpu.memory_space<hbm>>
      tpu.enqueue_indirect_dma source(%dma_start3A_26 : memref<10000x128xf32, #tpu.memory_space<hbm>>) target(%arg9 : memref<128x128xf32, #tpu.memory_space<vmem>>) offsets(%dma_start3A_23 : memref<128xi32, #tpu.memory_space<vmem>>) semaphore(%arg11 : memref<!tpu.dma_semaphore, #tpu.memory_space<semaphore_mem>>)
      %dma_wait3A = arith.constant 0 : i32
      %dma_wait3A_27 = tpu.memref_slice %arg7[%add3A_21, %dma_wait3A] : memref<118x128xi32, #tpu.memory_space<vmem>> -> memref<1x128xi32, #tpu.memory_space<vmem>>
      %dma_wait3A_28 = tpu.memref_squeeze %dma_wait3A_27 : memref<1x128xi32, #tpu.memory_space<vmem>> -> memref<128xi32, #tpu.memory_space<vmem>>
      %dma_wait3A_29 = arith.constant 0 : i32
      %dma_wait3A_30 = arith.constant 0 : i32
      %dma_wait3A_31 = tpu.memref_slice %arg2[%dma_wait3A_29, %dma_wait3A_30] : memref<10000x128xf32, #tpu.memory_space<hbm>> -> memref<10000x128xf32, #tpu.memory_space<hbm>>
      tpu.wait_indirect_dma semaphore(%arg11 : memref<!tpu.dma_semaphore, #tpu.memory_space<semaphore_mem>>) src(%dma_wait3A_31 : memref<10000x128xf32, #tpu.memory_space<hbm>>) dst(%arg9 : memref<128x128xf32, #tpu.memory_space<vmem>>)
      "tpu.region"() ({
        %run_scoped3A = tpu.sem_alloc : memref<!tpu.dma_semaphore, #tpu.memory_space<semaphore_mem>>
        %dma_start3A_32 = arith.constant 0 : i32
        %dma_start3A_33 = tpu.memref_slice %arg8[%add3A_21, %dma_start3A_32] : memref<118x128xi32, #tpu.memory_space<vmem>> -> memref<1x128xi32, #tpu.memory_space<vmem>>
        %dma_start3A_34 = tpu.memref_squeeze %dma_start3A_33 : memref<1x128xi32, #tpu.memory_space<vmem>> -> memref<128xi32, #tpu.memory_space<vmem>>
        %dma_start3A_35 = arith.constant 0 : i32
        %dma_start3A_36 = arith.constant 0 : i32
        %dma_start3A_37 = tpu.memref_slice %arg10[%dma_start3A_35, %dma_start3A_36] : memref<10112x128xf32, #tpu.memory_space<vmem_shared>> -> memref<10112x128xf32, #tpu.memory_space<vmem_shared>>
        tpu.enqueue_indirect_dma source(%arg9 : memref<128x128xf32, #tpu.memory_space<vmem>>) target(%dma_start3A_37 : memref<10112x128xf32, #tpu.memory_space<vmem_shared>>) offsets(%dma_start3A_34 : memref<128xi32, #tpu.memory_space<vmem>>) semaphore(%run_scoped3A : memref<!tpu.dma_semaphore, #tpu.memory_space<semaphore_mem>>) {add = true}
        %dma_wait3A_38 = arith.constant 0 : i32
        %dma_wait3A_39 = tpu.memref_slice %arg8[%add3A_21, %dma_wait3A_38] : memref<118x128xi32, #tpu.memory_space<vmem>> -> memref<1x128xi32, #tpu.memory_space<vmem>>
        %dma_wait3A_40 = tpu.memref_squeeze %dma_wait3A_39 : memref<1x128xi32, #tpu.memory_space<vmem>> -> memref<128xi32, #tpu.memory_space<vmem>>
        %dma_wait3A_41 = arith.constant 0 : i32
        %dma_wait3A_42 = arith.constant 0 : i32
        %dma_wait3A_43 = tpu.memref_slice %arg10[%dma_wait3A_41, %dma_wait3A_42] : memref<10112x128xf32, #tpu.memory_space<vmem_shared>> -> memref<10112x128xf32, #tpu.memory_space<vmem_shared>>
        tpu.wait_indirect_dma semaphore(%run_scoped3A : memref<!tpu.dma_semaphore, #tpu.memory_space<semaphore_mem>>) src(%arg9 : memref<128x128xf32, #tpu.memory_space<vmem>>) dst(%dma_wait3A_43 : memref<10112x128xf32, #tpu.memory_space<vmem_shared>>)
        tpu.yield
      }) : () -> ()
    }
    %barrier3A_18 = arith.constant 0 : index
    tpu.barrier barrier_id(%barrier3A_18)
    "tpu.region"() ({
      %run_scoped3A = tpu.sem_alloc : memref<!tpu.dma_semaphore, #tpu.memory_space<semaphore_mem>>
      %dma_start3A = arith.constant 0 : i32
      %dma_start3A_19 = tpu.memref_slice %arg6[%arg0, %mul3A_0, %dma_start3A] : memref<2x10112x128xf32, #tpu.memory_space<hbm>> -> memref<1x632x128xf32, #tpu.memory_space<hbm>>
      %dma_start3A_20 = tpu.memref_squeeze %dma_start3A_19 : memref<1x632x128xf32, #tpu.memory_space<hbm>> -> memref<632x128xf32, #tpu.memory_space<hbm>>
      %dma_start3A_21 = arith.constant 0 : i32
      %dma_start3A_22 = tpu.memref_slice %arg10[%mul3A_0, %dma_start3A_21] : memref<10112x128xf32, #tpu.memory_space<vmem_shared>> -> memref<632x128xf32, #tpu.memory_space<vmem_shared>>
      tpu.enqueue_dma source(%dma_start3A_22 : memref<632x128xf32, #tpu.memory_space<vmem_shared>>) target(%dma_start3A_20 : memref<632x128xf32, #tpu.memory_space<hbm>>) target_semaphore(%run_scoped3A : memref<!tpu.dma_semaphore, #tpu.memory_space<semaphore_mem>>)
      %dma_wait3A = arith.constant 0 : i32
      %dma_wait3A_23 = tpu.memref_slice %arg6[%arg0, %mul3A_0, %dma_wait3A] : memref<2x10112x128xf32, #tpu.memory_space<hbm>> -> memref<1x632x128xf32, #tpu.memory_space<hbm>>
      %dma_wait3A_24 = tpu.memref_squeeze %dma_wait3A_23 : memref<1x632x128xf32, #tpu.memory_space<hbm>> -> memref<632x128xf32, #tpu.memory_space<hbm>>
      %dma_wait3A_25 = arith.constant 0 : i32
      %dma_wait3A_26 = tpu.memref_slice %arg10[%mul3A_0, %dma_wait3A_25] : memref<10112x128xf32, #tpu.memory_space<vmem_shared>> -> memref<632x128xf32, #tpu.memory_space<vmem_shared>>
      tpu.wait_dma2 semaphore(%run_scoped3A : memref<!tpu.dma_semaphore, #tpu.memory_space<semaphore_mem>>) src(%dma_wait3A_26 : memref<632x128xf32, #tpu.memory_space<vmem_shared>>) dst(%dma_wait3A_24 : memref<632x128xf32, #tpu.memory_space<hbm>>)
      tpu.yield
    }) : () -> ()
    return
  }
}

module attributes {stable_mosaic.version = 14 : i64} {
  func.func @_mm_body(%arg0: i32, %arg1: memref<2000x128xf32, #tpu.memory_space<vmem>>, %arg2: memref<128x128xf32, #tpu.memory_space<vmem>>, %arg3: memref<1x128xf32, #tpu.memory_space<vmem>>, %arg4: memref<128x128xf32, #tpu.memory_space<vmem>>, %arg5: memref<1x128xf32, #tpu.memory_space<vmem>>, %arg6: memref<2000x128xf32, #tpu.memory_space<vmem>>, %arg7: memref<2000x128xf32, #tpu.memory_space<vmem>>) attributes {dimension_semantics = [#tpu.dimension_semantics<arbitrary>], iteration_bounds = array<i64: 5>, scalar_prefetch = 0 : i64, scratch_operands = 0 : i64, tpu.core_type = #tpu.core_type<tc>, window_params = [{transform_indices = @transform_0, window_bounds = array<i64: 2000, 128>}, {pipeline_mode = #tpu.pipeline_mode<synchronous>, transform_indices = @transform_1, window_bounds = array<i64: 128, 128>}, {pipeline_mode = #tpu.pipeline_mode<synchronous>, transform_indices = @transform_2, window_bounds = array<i64: 1, 128>}, {pipeline_mode = #tpu.pipeline_mode<synchronous>, transform_indices = @transform_3, window_bounds = array<i64: 128, 128>}, {pipeline_mode = #tpu.pipeline_mode<synchronous>, transform_indices = @transform_4, window_bounds = array<i64: 1, 128>}, {transform_indices = @transform_5, window_bounds = array<i64: 2000, 128>}, {transform_indices = @transform_6, window_bounds = array<i64: 2000, 128>}]} {
    %get3A = arith.constant 0 : index
    %get3A_0 = arith.constant 0 : index
    %get3A_1 = vector.load %arg1[%get3A, %get3A_0] : memref<2000x128xf32, #tpu.memory_space<vmem>>, vector<2000x128xf32>
    %get3A_2 = arith.constant 0 : index
    %get3A_3 = arith.constant 0 : index
    %get3A_4 = vector.load %arg2[%get3A_2, %get3A_3] : memref<128x128xf32, #tpu.memory_space<vmem>>, vector<128x128xf32>
    %dot_general3A = arith.constant dense<0.000000e+00> : vector<2000x128xf32>
    %dot_general3A_5 = tpu.matmul %get3A_1, %get3A_4, %dot_general3A {dimension_numbers = #tpu.dot_dimension_numbers<[1], [0], [0], [1], [0, 0, 1, 1], [], []>, transpose_lhs_hint = false} : vector<2000x128xf32>, vector<128x128xf32>, vector<2000x128xf32> -> vector<2000x128xf32>
    %get3A_6 = arith.constant 0 : index
    %get3A_7 = arith.constant 0 : index
    %get3A_8 = vector.load %arg3[%get3A_6, %get3A_7] : memref<1x128xf32, #tpu.memory_space<vmem>>, vector<1x128xf32>
    %add3A = vector.broadcast %get3A_8 : vector<1x128xf32> to vector<2000x128xf32>
    %add3A_9 = arith.addf %dot_general3A_5, %add3A : vector<2000x128xf32>
    %swap3A = arith.constant 0 : index
    %swap3A_10 = arith.constant 0 : index
    %swap3A_11 = vector.load %arg6[%swap3A, %swap3A_10] : memref<2000x128xf32, #tpu.memory_space<vmem>>, vector<2000x128xf32>
    tpu.vector_store %arg6[%swap3A, %swap3A_10], %add3A_9 {strides = array<i32>} : memref<2000x128xf32, #tpu.memory_space<vmem>>, vector<2000x128xf32>,
    %get3A_12 = arith.constant 0 : index
    %get3A_13 = arith.constant 0 : index
    %get3A_14 = vector.load %arg4[%get3A_12, %get3A_13] : memref<128x128xf32, #tpu.memory_space<vmem>>, vector<128x128xf32>
    %dot_general3A_15 = arith.constant dense<0.000000e+00> : vector<2000x128xf32>
    %dot_general3A_16 = tpu.matmul %get3A_1, %get3A_14, %dot_general3A_15 {dimension_numbers = #tpu.dot_dimension_numbers<[1], [0], [0], [1], [0, 0, 1, 1], [], []>, transpose_lhs_hint = false} : vector<2000x128xf32>, vector<128x128xf32>, vector<2000x128xf32> -> vector<2000x128xf32>
    %get3A_17 = arith.constant 0 : index
    %get3A_18 = arith.constant 0 : index
    %get3A_19 = vector.load %arg5[%get3A_17, %get3A_18] : memref<1x128xf32, #tpu.memory_space<vmem>>, vector<1x128xf32>
    %add3A_20 = vector.broadcast %get3A_19 : vector<1x128xf32> to vector<2000x128xf32>
    %add3A_21 = arith.addf %dot_general3A_16, %add3A_20 : vector<2000x128xf32>
    %swap3A_22 = arith.constant 0 : index
    %swap3A_23 = arith.constant 0 : index
    %swap3A_24 = vector.load %arg7[%swap3A_22, %swap3A_23] : memref<2000x128xf32, #tpu.memory_space<vmem>>, vector<2000x128xf32>
    tpu.vector_store %arg7[%swap3A_22, %swap3A_23], %add3A_21 {strides = array<i32>} : memref<2000x128xf32, #tpu.memory_space<vmem>>, vector<2000x128xf32>,
    return
  }
  func.func @transform_0(%arg0: i32) -> (i32, i32) {
    %c0_i32 = arith.constant 0 : i32
    %c0_i32_0 = arith.constant 0 : i32
    return %arg0, %c0_i32 : i32, i32
  }
  func.func @transform_1(%arg0: i32) -> (i32, i32) {
    %c0_i32 = arith.constant 0 : i32
    %c0_i32_0 = arith.constant 0 : i32
    %c0_i32_1 = arith.constant 0 : i32
    return %c0_i32, %c0_i32_0 : i32, i32
  }
  func.func @transform_2(%arg0: i32) -> (i32, i32) {
    %c0_i32 = arith.constant 0 : i32
    %c0_i32_0 = arith.constant 0 : i32
    %c0_i32_1 = arith.constant 0 : i32
    return %c0_i32, %c0_i32_0 : i32, i32
  }
  func.func @transform_3(%arg0: i32) -> (i32, i32) {
    %c0_i32 = arith.constant 0 : i32
    %c0_i32_0 = arith.constant 0 : i32
    %c0_i32_1 = arith.constant 0 : i32
    return %c0_i32, %c0_i32_0 : i32, i32
  }
  func.func @transform_4(%arg0: i32) -> (i32, i32) {
    %c0_i32 = arith.constant 0 : i32
    %c0_i32_0 = arith.constant 0 : i32
    %c0_i32_1 = arith.constant 0 : i32
    return %c0_i32, %c0_i32_0 : i32, i32
  }
  func.func @transform_5(%arg0: i32) -> (i32, i32) {
    %c0_i32 = arith.constant 0 : i32
    %c0_i32_0 = arith.constant 0 : i32
    return %arg0, %c0_i32 : i32, i32
  }
  func.func @transform_6(%arg0: i32) -> (i32, i32) {
    %c0_i32 = arith.constant 0 : i32
    %c0_i32_0 = arith.constant 0 : i32
    return %arg0, %c0_i32 : i32, i32
  }
}

module attributes {stable_mosaic.version = 14 : i64} {
  func.func @_ex_body(%arg0: i32, %arg1: memref<8x128xf32, #tpu.memory_space<vmem>>, %arg2: memref<8000x128xf32, #tpu.memory_space<vmem>>, %arg3: memref<8000x128xf32, #tpu.memory_space<vmem>>) attributes {dimension_semantics = [#tpu.dimension_semantics<arbitrary>], iteration_bounds = array<i64: 40>, scalar_prefetch = 0 : i64, scratch_operands = 0 : i64, tpu.core_type = #tpu.core_type<tc>, window_params = [{pipeline_mode = #tpu.pipeline_mode<synchronous>, transform_indices = @transform_0, window_bounds = array<i64: 8, 128>}, {transform_indices = @transform_1, window_bounds = array<i64: 8000, 128>}, {transform_indices = @transform_2, window_bounds = array<i64: 8000, 128>}]} {
    %get3A = arith.constant 0 : index
    %get3A_0 = arith.constant 0 : index
    %get3A_1 = vector.load %arg2[%get3A, %get3A_0] : memref<8000x128xf32, #tpu.memory_space<vmem>>, vector<8000x128xf32>
    %swap3A = arith.constant 0 : index
    %swap3A_2 = arith.constant 0 : index
    %swap3A_3 = vector.load %arg3[%swap3A, %swap3A_2] : memref<8000x128xf32, #tpu.memory_space<vmem>>, vector<8000x128xf32>
    tpu.vector_store %arg3[%swap3A, %swap3A_2], %get3A_1 {strides = array<i32>} : memref<8000x128xf32, #tpu.memory_space<vmem>>, vector<8000x128xf32>,
    return
  }
  func.func @transform_0(%arg0: i32) -> (i32, i32) {
    %c0_i32 = arith.constant 0 : i32
    %c0_i32_0 = arith.constant 0 : i32
    %c0_i32_1 = arith.constant 0 : i32
    return %c0_i32, %c0_i32_0 : i32, i32
  }
  func.func @transform_1(%arg0: i32) -> (i32, i32) {
    %c0_i32 = arith.constant 0 : i32
    %c0_i32_0 = arith.constant 0 : i32
    return %arg0, %c0_i32 : i32, i32
  }
  func.func @transform_2(%arg0: i32) -> (i32, i32) {
    %c0_i32 = arith.constant 0 : i32
    %c0_i32_0 = arith.constant 0 : i32
    return %arg0, %c0_i32 : i32, i32
  }
}

module attributes {stable_mosaic.version = 14 : i64} {
  func.func @_post_body(%arg0: i32, %arg1: i32, %arg2: memref<2000x128xf32, #tpu.memory_space<vmem>>, %arg3: memref<1x2000x128xf32, #tpu.memory_space<vmem>>, %arg4: memref<1x2000x128xf32, #tpu.memory_space<vmem>>, %arg5: memref<2000x1xf32, #tpu.memory_space<vmem>>, %arg6: memref<2000x128xf32, #tpu.memory_space<vmem>>, %arg7: memref<1x128xf32, #tpu.memory_space<vmem>>, %arg8: memref<1x128xf32, #tpu.memory_space<vmem>>, %arg9: memref<8x128xf32, #tpu.memory_space<vmem>>, %arg10: memref<2000x128xf32, #tpu.memory_space<vmem>>, %arg11: memref<1x128xf32, #tpu.memory_space<vmem>>, %arg12: memref<1x128xf32, #tpu.memory_space<vmem>>) attributes {dimension_semantics = [#tpu.dimension_semantics<arbitrary>, #tpu.dimension_semantics<arbitrary>], iteration_bounds = array<i64: 2, 5>, scalar_prefetch = 0 : i64, scratch_operands = 2 : i64, tpu.core_type = #tpu.core_type<tc>, window_params = [{transform_indices = @transform_0, window_bounds = array<i64: 2000, 128>}, {transform_indices = @transform_1, window_bounds = array<i64: 1, 2000, 128>}, {transform_indices = @transform_2, window_bounds = array<i64: 1, 2000, 128>}, {transform_indices = @transform_3, window_bounds = array<i64: 2000, 1>}, {transform_indices = @transform_4, window_bounds = array<i64: 2000, 128>}, {pipeline_mode = #tpu.pipeline_mode<synchronous>, transform_indices = @transform_5, window_bounds = array<i64: 1, 128>}, {pipeline_mode = #tpu.pipeline_mode<synchronous>, transform_indices = @transform_6, window_bounds = array<i64: 1, 128>}, {pipeline_mode = #tpu.pipeline_mode<synchronous>, transform_indices = @transform_7, window_bounds = array<i64: 8, 128>}, {transform_indices = @transform_8, window_bounds = array<i64: 2000, 128>}]} {
    %get3A = arith.constant 0 : index
    %get3A_0 = arith.constant 0 : index
    %get3A_1 = vector.load %arg2[%get3A, %get3A_0] : memref<2000x128xf32, #tpu.memory_space<vmem>>, vector<2000x128xf32>
    %get3A_2 = arith.constant 0 : index
    %get3A_3 = arith.constant 0 : index
    %get3A_4 = arith.constant 0 : index
    %get3A_5 = vector.load %arg3[%get3A_2, %get3A_3, %get3A_4] : memref<1x2000x128xf32, #tpu.memory_space<vmem>>, vector<1x2000x128xf32>
    %get3A_6 = vector.shape_cast %get3A_5 : vector<1x2000x128xf32> to vector<2000x128xf32>
    %add3A = arith.addf %get3A_1, %get3A_6 : vector<2000x128xf32>
    %get3A_7 = arith.constant 0 : index
    %get3A_8 = arith.constant 0 : index
    %get3A_9 = arith.constant 0 : index
    %get3A_10 = vector.load %arg4[%get3A_7, %get3A_8, %get3A_9] : memref<1x2000x128xf32, #tpu.memory_space<vmem>>, vector<1x2000x128xf32>
    %get3A_11 = vector.shape_cast %get3A_10 : vector<1x2000x128xf32> to vector<2000x128xf32>
    %add3A_12 = arith.addf %add3A, %get3A_11 : vector<2000x128xf32>
    %get3A_13 = arith.constant 0 : index
    %get3A_14 = arith.constant 0 : index
    %get3A_15 = vector.load %arg5[%get3A_13, %get3A_14] : memref<2000x1xf32, #tpu.memory_space<vmem>>, vector<2000x1xf32>
    %mul3A = vector.broadcast %get3A_15 : vector<2000x1xf32> to vector<2000x128xf32>
    %mul3A_16 = arith.mulf %add3A_12, %mul3A : vector<2000x128xf32>
    %eq3A = arith.constant 0 : i32
    %eq3A_17 = arith.cmpi eq, %arg0, %eq3A : i32
    %eq3A_18 = arith.constant 0 : i32
    %eq3A_19 = arith.cmpi eq, %arg1, %eq3A_18 : i32
    %and3A = arith.andi %eq3A_17, %eq3A_19 : i1
    %convert_element_type3A = arith.extui %and3A : i1 to i32
    %cond3A = arith.constant 0 : i32
    %cond3A_20 = arith.cmpi ne, %convert_element_type3A, %cond3A : i32
    scf.if %cond3A_20 {
      %broadcast_in_dim3A = arith.constant 0.000000e+00 : f32
      %broadcast_in_dim3A_31 = vector.broadcast %broadcast_in_dim3A : f32 to vector<1x128xf32>
      %swap3A = arith.constant 0 : index
      %swap3A_32 = arith.constant 0 : index
      %swap3A_33 = vector.load %arg11[%swap3A, %swap3A_32] : memref<1x128xf32, #tpu.memory_space<vmem>>, vector<1x128xf32>
      tpu.vector_store %arg11[%swap3A, %swap3A_32], %broadcast_in_dim3A_31 {strides = array<i32>} : memref<1x128xf32, #tpu.memory_space<vmem>>, vector<1x128xf32>,
      %broadcast_in_dim3A_34 = arith.constant 0.000000e+00 : f32
      %broadcast_in_dim3A_35 = vector.broadcast %broadcast_in_dim3A_34 : f32 to vector<1x128xf32>
      %swap3A_36 = arith.constant 0 : index
      %swap3A_37 = arith.constant 0 : index
      %swap3A_38 = vector.load %arg12[%swap3A_36, %swap3A_37] : memref<1x128xf32, #tpu.memory_space<vmem>>, vector<1x128xf32>
      tpu.vector_store %arg12[%swap3A_36, %swap3A_37], %broadcast_in_dim3A_35 {strides = array<i32>} : memref<1x128xf32, #tpu.memory_space<vmem>>, vector<1x128xf32>,
    } else {
    }
    %eq3A_21 = arith.constant 0 : i32
    %eq3A_22 = arith.cmpi eq, %arg0, %eq3A_21 : i32
    %convert_element_type3A_23 = arith.extui %eq3A_22 : i1 to i32
    %cond3A_24 = arith.constant 0 : i32
    %cond3A_25 = arith.cmpi ne, %convert_element_type3A_23, %cond3A_24 : i32
    scf.if %cond3A_25 {
      %get3A_31 = arith.constant 0 : index
      %get3A_32 = arith.constant 0 : index
      %get3A_33 = vector.load %arg11[%get3A_31, %get3A_32] : memref<1x128xf32, #tpu.memory_space<vmem>>, vector<1x128xf32>
      %reduce_sum3A = arith.constant dense<0.000000e+00> : vector<128xf32>
      %reduce_sum3A_34 = vector.multi_reduction <add>, %mul3A_16, %reduce_sum3A [0] : vector<2000x128xf32> to vector<128xf32>
      %broadcast_in_dim3A = vector.shape_cast %reduce_sum3A_34 : vector<128xf32> to vector<1x128xf32>
      %add3A_35 = arith.addf %get3A_33, %broadcast_in_dim3A : vector<1x128xf32>
      %swap3A = arith.constant 0 : index
      %swap3A_36 = arith.constant 0 : index
      %swap3A_37 = vector.load %arg11[%swap3A, %swap3A_36] : memref<1x128xf32, #tpu.memory_space<vmem>>, vector<1x128xf32>
      tpu.vector_store %arg11[%swap3A, %swap3A_36], %add3A_35 {strides = array<i32>} : memref<1x128xf32, #tpu.memory_space<vmem>>, vector<1x128xf32>,
      %get3A_38 = arith.constant 0 : index
      %get3A_39 = arith.constant 0 : index
      %get3A_40 = vector.load %arg12[%get3A_38, %get3A_39] : memref<1x128xf32, #tpu.memory_space<vmem>>, vector<1x128xf32>
      %mul3A_41 = arith.mulf %mul3A_16, %mul3A_16 : vector<2000x128xf32>
      %reduce_sum3A_42 = arith.constant dense<0.000000e+00> : vector<128xf32>
      %reduce_sum3A_43 = vector.multi_reduction <add>, %mul3A_41, %reduce_sum3A_42 [0] : vector<2000x128xf32> to vector<128xf32>
      %broadcast_in_dim3A_44 = vector.shape_cast %reduce_sum3A_43 : vector<128xf32> to vector<1x128xf32>
      %add3A_45 = arith.addf %get3A_40, %broadcast_in_dim3A_44 : vector<1x128xf32>
      %swap3A_46 = arith.constant 0 : index
      %swap3A_47 = arith.constant 0 : index
      %swap3A_48 = vector.load %arg12[%swap3A_46, %swap3A_47] : memref<1x128xf32, #tpu.memory_space<vmem>>, vector<1x128xf32>
      tpu.vector_store %arg12[%swap3A_46, %swap3A_47], %add3A_45 {strides = array<i32>} : memref<1x128xf32, #tpu.memory_space<vmem>>, vector<1x128xf32>,
    } else {
    }
    %eq3A_26 = arith.constant 1 : i32
    %eq3A_27 = arith.cmpi eq, %arg0, %eq3A_26 : i32
    %convert_element_type3A_28 = arith.extui %eq3A_27 : i1 to i32
    %cond3A_29 = arith.constant 0 : i32
    %cond3A_30 = arith.cmpi ne, %convert_element_type3A_28, %cond3A_29 : i32
    scf.if %cond3A_30 {
      %get3A_31 = arith.constant 0 : index
      %get3A_32 = arith.constant 0 : index
      %get3A_33 = vector.load %arg11[%get3A_31, %get3A_32] : memref<1x128xf32, #tpu.memory_space<vmem>>, vector<1x128xf32>
      %mul3A_34 = arith.constant 9.99999974E-5 : f32
      %mul3A_35 = vector.broadcast %mul3A_34 : f32 to vector<1x128xf32>
      %mul3A_36 = arith.mulf %get3A_33, %mul3A_35 : vector<1x128xf32>
      %get3A_37 = arith.constant 0 : index
      %get3A_38 = arith.constant 0 : index
      %get3A_39 = vector.load %arg12[%get3A_37, %get3A_38] : memref<1x128xf32, #tpu.memory_space<vmem>>, vector<1x128xf32>
      %mul3A_40 = arith.constant 9.99999974E-5 : f32
      %mul3A_41 = vector.broadcast %mul3A_40 : f32 to vector<1x128xf32>
      %mul3A_42 = arith.mulf %get3A_39, %mul3A_41 : vector<1x128xf32>
      %mul3A_43 = arith.mulf %mul3A_36, %mul3A_36 : vector<1x128xf32>
      %sub3A = arith.subf %mul3A_42, %mul3A_43 : vector<1x128xf32>
      %add3A_44 = arith.constant 9.99999974E-6 : f32
      %add3A_45 = vector.broadcast %add3A_44 : f32 to vector<1x128xf32>
      %add3A_46 = arith.addf %sub3A, %add3A_45 : vector<1x128xf32>
      %rsqrt3A = math.rsqrt %add3A_46 : vector<1x128xf32>
      %get3A_47 = arith.constant 0 : index
      %get3A_48 = arith.constant 0 : index
      %get3A_49 = vector.load %arg7[%get3A_47, %get3A_48] : memref<1x128xf32, #tpu.memory_space<vmem>>, vector<1x128xf32>
      %mul3A_50 = arith.mulf %rsqrt3A, %get3A_49 : vector<1x128xf32>
      %sub3A_51 = vector.broadcast %mul3A_36 : vector<1x128xf32> to vector<2000x128xf32>
      %sub3A_52 = arith.subf %mul3A_16, %sub3A_51 : vector<2000x128xf32>
      %mul3A_53 = vector.broadcast %mul3A_50 : vector<1x128xf32> to vector<2000x128xf32>
      %mul3A_54 = arith.mulf %sub3A_52, %mul3A_53 : vector<2000x128xf32>
      %get3A_55 = arith.constant 0 : index
      %get3A_56 = arith.constant 0 : index
      %get3A_57 = vector.load %arg8[%get3A_55, %get3A_56] : memref<1x128xf32, #tpu.memory_space<vmem>>, vector<1x128xf32>
      %add3A_58 = vector.broadcast %get3A_57 : vector<1x128xf32> to vector<2000x128xf32>
      %add3A_59 = arith.addf %mul3A_54, %add3A_58 : vector<2000x128xf32>
      %get3A_60 = arith.constant 0 : index
      %get3A_61 = arith.constant 0 : index
      %get3A_62 = vector.load %arg6[%get3A_60, %get3A_61] : memref<2000x128xf32, #tpu.memory_space<vmem>>, vector<2000x128xf32>
      %max3A = arith.constant 0.000000e+00 : f32
      %max3A_63 = vector.broadcast %max3A : f32 to vector<2000x128xf32>
      %max3A_64 = arith.maximumf %add3A_59, %max3A_63 : vector<2000x128xf32>
      %add3A_65 = arith.addf %get3A_62, %max3A_64 : vector<2000x128xf32>
      %swap3A = arith.constant 0 : index
      %swap3A_66 = arith.constant 0 : index
      %swap3A_67 = vector.load %arg10[%swap3A, %swap3A_66] : memref<2000x128xf32, #tpu.memory_space<vmem>>, vector<2000x128xf32>
      tpu.vector_store %arg10[%swap3A, %swap3A_66], %add3A_65 {strides = array<i32>} : memref<2000x128xf32, #tpu.memory_space<vmem>>, vector<2000x128xf32>,
    } else {
    }
    return
  }
  func.func @transform_0(%arg0: i32, %arg1: i32) -> (i32, i32) {
    %c0_i32 = arith.constant 0 : i32
    %c0_i32_0 = arith.constant 0 : i32
    return %arg1, %c0_i32 : i32, i32
  }
  func.func @transform_1(%arg0: i32, %arg1: i32) -> (i32, i32, i32) {
    %c0_i32 = arith.constant 0 : i32
    %c0_i32_0 = arith.constant 0 : i32
    %c0_i32_1 = arith.constant 0 : i32
    return %c0_i32, %arg1, %c0_i32_0 : i32, i32, i32
  }
  func.func @transform_2(%arg0: i32, %arg1: i32) -> (i32, i32, i32) {
    %c1_i32 = arith.constant 1 : i32
    %c0_i32 = arith.constant 0 : i32
    %c0_i32_0 = arith.constant 0 : i32
    return %c1_i32, %arg1, %c0_i32 : i32, i32, i32
  }
  func.func @transform_3(%arg0: i32, %arg1: i32) -> (i32, i32) {
    %c0_i32 = arith.constant 0 : i32
    %c0_i32_0 = arith.constant 0 : i32
    return %arg1, %c0_i32 : i32, i32
  }
  func.func @transform_4(%arg0: i32, %arg1: i32) -> (i32, i32) {
    %c0_i32 = arith.constant 0 : i32
    %c0_i32_0 = arith.constant 0 : i32
    return %arg1, %c0_i32 : i32, i32
  }
  func.func @transform_5(%arg0: i32, %arg1: i32) -> (i32, i32) {
    %c0_i32 = arith.constant 0 : i32
    %c0_i32_0 = arith.constant 0 : i32
    %c0_i32_1 = arith.constant 0 : i32
    return %c0_i32, %c0_i32_0 : i32, i32
  }
  func.func @transform_6(%arg0: i32, %arg1: i32) -> (i32, i32) {
    %c0_i32 = arith.constant 0 : i32
    %c0_i32_0 = arith.constant 0 : i32
    %c0_i32_1 = arith.constant 0 : i32
    return %c0_i32, %c0_i32_0 : i32, i32
  }
  func.func @transform_7(%arg0: i32, %arg1: i32) -> (i32, i32) {
    %c0_i32 = arith.constant 0 : i32
    %c0_i32_0 = arith.constant 0 : i32
    %c0_i32_1 = arith.constant 0 : i32
    return %c0_i32, %c0_i32_0 : i32, i32
  }
  func.func @transform_8(%arg0: i32, %arg1: i32) -> (i32, i32) {
    %c0_i32 = arith.constant 0 : i32
    %c0_i32_0 = arith.constant 0 : i32
    return %arg1, %c0_i32 : i32, i32
  }
}

</mosaic_0001>

<sc_bundles>
// kernel: kernel.6.cloned.1.call-start
scs
__scs_entry_jumppad:
0x0: {  	(pc) =	sbr.rel $0x88, $3  }
0x1: {  	(tag) =	ssettag $0x0;
	lr =	simm.s32 $0x1  }
0x2: {  	[smem:$0x3F97] =	sst lr;
	_ =	strace $0xD0000000  }
0x3: {  	_ = 	snop  }
0x4: {  	_ = 	snop  }
0x5: {  	_ = 	snop  }
0x6: {  	_ = 	snop  }
0x7: {  	_ = 	snop  }
__scs_overlays_trampoline_lowered:
0x8: {  	[smem:$0x3FA6] =	sst s0  }
0x9: {  	[smem:$0x3FA7] =	sst s1  }
0xa: {  	[smem:$0x3FA8] =	sst s2  }
0xb: {  	[smem:$0x3FA9] =	sst s3  }
0xc: {  	[smem:$0x3FAA] =	sst s4  }
0xd: {  	[smem:$0x3FAB] =	sst s5  }
0xe: {  	[smem:$0x3FAC] =	sst s6  }
0xf: {  	[smem:$0x3FAD] =	sst s7  }
0x10: {  	[smem:$0x3FAE] =	sst s8  }
0x11: {  	[smem:$0x3FAF] =	sst s9;
	s0 =	simm.s32 @!p0 $0x0  }
0x12: {  	s1 =	sld [smem:$0x3F95];
	s0 =	simm.s32 @p0 $0x1  }
0x13: {  	[smem:$0x3FB0] =	sst s0;
	s0 =	simm.s32 @!p1 $0x0  }
0x14: {  	s2 =	sld [smem:$0x3F94];
	s0 =	simm.s32 @p1 $0x1  }
0x15: {  	[smem:$0x3FB1] =	sst s0;
	s0 =	simm.s32 @!p2 $0x0  }
0x16: {  	s3 =	sld [smem:$0x3FDB];
	s0 =	simm.s32 @p2 $0x1  }
0x17: {  	s4 =	simm.s32 $0x1BF5;
	[smem:$0x3FB3] =	sst s0  }
0x18: {  	s0 =	sld [smem:$0x3F96];
	_ =	swait.ge [sflag:s4], $0x0  }
0x19: {  	s7 =	sld [smem:$0x3F97]  }
0x1a: {  	s8 =	sadd.s32 $0xFFFFE003, lr  }
0x1b: {  	s9 =	sadd.s32 $0xFFFFFEF7, lr;
	s5 =	simm.s32 $0xFFFFFFFF;
	p2 =	slt.u32 s8, $0xFFFFF086  }
0x1c: {  	p1 =	slt.u32 s9, $0xF7A;
	s5 =	simm.s32 @!p2 $0x0  }
0x1d: {  	s5 =	simm.s32 @p1 $0x1;
	p0 =	seq.s32 s7, s2  }
0x1e: {  	s7 =	smul.u32 @!p0 $0xF7A, s2;
	p2 =	seq.s32 @!p0 s5, $0x0  }
0x1f: {  	s9 =	smul.u32 $0xF7A, s1;
	s8 =	simm.s32 @!p0 $0x1BF5;
	p2 =	por !p2, p0  }
0x20: {  	[sflag:s8] =	ssyncset.s32 @!p0 $0xFFFFF086;
	s6 =	sadd.s32 @!p0 s3, s7;
	s7 =	simm.s32 @!p0 $0x108  }
0x21: {  	s3 =	sadd.s32 s3, s9;
	s6 =	sadd.s32 @!p0 $0x88, s6;
	s7 =	simm.s32 @p2 $0x1082  }
0x22: {  	[simem:s7], [sflag:s8] =	dma.local @!p0 [hbm:s6], $0xF7A  }
0x23: {  	s9 =	sor.u32 $0xD0000000, s2;
	s6 =	simm.s32 $0x108;
	_ =	swait.ge @!p0 [sflag:s8], $0x0  }
0x24: {  	s3 =	sadd.s32 $0x88, s3;
	s6 =	simm.s32 @!p1 $0x1082;
	[sflag:s4] =	ssyncset.s32 $0xFFFFF086  }
0x25: {  	[simem:s6], [sflag:s4] =	dma.local [hbm:s3], $0xF7A  }
0x26: {  	[smem:$0x3F97] =	sst s1;
	(tag) =	ssettag s2;
	_ =	strace s9  }
0x27: {  	s1 =	sld [smem:$0x3FA7]  }
0x28: {  	s2 =	sld [smem:$0x3FA8]  }
0x29: {  	s4 =	sld [smem:$0x3FAA]  }
0x2a: {  	p0 =	seq.s32 s5, $0x0;
	s5 =	sld [smem:$0x3FAB]  }
0x2b: {  	s6 =	sld [smem:$0x3FAC]  }
0x2c: {  	s7 =	sld [smem:$0x3FAD]  }
0x2d: {  	s3 =	simm.s32 $0x108;
	s8 =	sld [smem:$0x3FAE]  }
0x2e: {  	s3 =	simm.s32 @!p0 $0x1082;
	s9 =	sld [smem:$0x3FAF]  }
0x2f: {  	lr =	sadd.s32 s0, s3;
	s0 =	sld [smem:$0x3FA6]  }
0x30: {  	s3 =	sld [smem:$0x3FA9]  }
0x31: {  	[smem:$0x3FB2] =	sst s10  }
0x32: {  	s10 =	sld [smem:$0x3FB0];
	_ =	sdelay $0x3  }
0x33: {  	p0 =	seq.s32 s10, $0x1;
	s10 =	sld [smem:$0x3FB2];
	_ =	sdelay $0x3  }
0x34: {  	[smem:$0x3FB2] =	sst s10  }
0x35: {  	s10 =	sld [smem:$0x3FB1];
	_ =	sdelay $0x3  }
0x36: {  	p1 =	seq.s32 s10, $0x1;
	s10 =	sld [smem:$0x3FB2];
	_ =	sdelay $0x3  }
0x37: {  	[smem:$0x3FB2] =	sst s10  }
0x38: {  	s10 =	sld [smem:$0x3FB3]  }
0x39: {  	_ = 	snop;
	(pc) =	sbr.ind lr, $3  }
0x3a: {  	_ = 	snop  }
0x3b: {  	_ = 	snop  }
0x3c: {  	p2 =	seq.s32 s10, $0x1;
	s10 =	sld [smem:$0x3FB2]  }
0x3d: {  	_ =	shalt  }
0x3e: {  	_ =	shalt  }
0x3f: {  	_ =	shalt  }
0x40: {  	_ =	shalt  }
0x41: {  	_ =	shalt  }
0x42: {  	_ =	shalt  }
0x43: {  	_ =	shalt  }
0x44: {  	_ =	shalt  }
0x45: {  	_ =	shalt  }
0x46: {  	_ =	shalt  }
0x47: {  	_ =	shalt  }
0x48: {  	_ =	shalt  }
0x49: {  	_ =	shalt  }
0x4a: {  	_ =	shalt  }
0x4b: {  	_ =	shalt  }
0x4c: {  	_ =	shalt  }
0x4d: {  	_ =	shalt  }
0x4e: {  	_ =	shalt  }
0x4f: {  	_ =	shalt  }
0x50: {  	_ =	shalt  }
0x51: {  	_ =	shalt  }
0x52: {  	_ =	shalt  }
0x53: {  	_ =	shalt  }
0x54: {  	_ =	shalt  }
0x55: {  	_ =	shalt  }
0x56: {  	_ =	shalt  }
0x57: {  	_ =	shalt  }
0x58: {  	_ =	shalt  }
0x59: {  	_ =	shalt  }
0x5a: {  	_ =	shalt  }
0x5b: {  	_ =	shalt  }
0x5c: {  	_ =	shalt  }
0x5d: {  	_ =	shalt  }
0x5e: {  	_ =	shalt  }
0x5f: {  	_ =	shalt  }
0x60: {  	_ =	shalt  }
0x61: {  	_ =	shalt  }
0x62: {  	_ =	shalt  }
0x63: {  	_ =	shalt  }
0x64: {  	_ =	shalt  }
0x65: {  	_ =	shalt  }
0x66: {  	_ =	shalt  }
0x67: {  	_ =	shalt  }
0x68: {  	_ =	shalt  }
0x69: {  	_ =	shalt  }
0x6a: {  	_ =	shalt  }
0x6b: {  	_ =	shalt  }
0x6c: {  	_ =	shalt  }
0x6d: {  	_ =	shalt  }
0x6e: {  	_ =	shalt  }
0x6f: {  	_ =	shalt  }
0x70: {  	_ =	shalt  }
0x71: {  	_ =	shalt  }
0x72: {  	_ =	shalt  }
0x73: {  	_ =	shalt  }
0x74: {  	_ =	shalt  }
0x75: {  	_ =	shalt  }
0x76: {  	_ =	shalt  }
0x77: {  	_ =	shalt  }
0x78: {  	_ =	shalt  }
0x79: {  	_ =	shalt  }
0x7a: {  	_ =	shalt  }
0x7b: {  	_ =	shalt  }
0x7c: {  	_ =	shalt  }
0x7d: {  	_ =	shalt  }
0x7e: {  	_ =	shalt  }
0x7f: {  	_ =	shalt  }
0x80: {  	_ =	shalt  }
0x81: {  	_ =	shalt  }
0x82: {  	_ =	shalt  }
0x83: {  	_ =	shalt  }
0x84: {  	_ =	shalt  }
0x85: {  	_ =	shalt  }
0x86: {  	_ =	shalt  }
0x87: {  	_ =	shalt  }
.Lfunc_end0:
.L_simem_size_0:
called_computation_lowered:
.L_overlay_start_0:
0x88: {  	s2 =	sld [smem:$0x3FD9]  }
0x89: {  	s3 =	sld [smem:$0x3FFE];
	_ =	sdelay $0x1  }
0x8a: {  	s1 =	srdreg.scid  }
0x8b: {  	s0 =	sand.u32 $0x1, s1  }
0x8c: {  	s14 =	sshll.u32 s0, $0xA;
	s2 =	sadd.s32 s3, s2  }
0x8d: {  	s2 =	sadd.s32 s2, s14  }
0x8e: {  	[smem:$0x3FBE] =	sst s2  }
0x8f: {  	_ = 	snop  }
0x90: {  	s2 =	sld [smem:$0x3FD0];
	_ =	sdelay $0x2  }
0x91: {  	s15 =	simm.s32 $0xA;
	s4 =	simm.s32 $0x10  }
0x92: {  	[smem:s4], [sflag:s15] =	dma.local [hbm:s2], $0x1  }
0x93: {  	_ =	swait.eq [sflag:s15], $0x1  }
0x94: {  	[sflag:s15] =	ssyncset.done $0x0  }
0x95: {  	[sflag:s15] =	ssyncadd.s32 $0xFFFFFFFF  }
0x96: {  	s16 =	sld [smem:$0x10];
	(tm) =	ssettm $0x1  }
0x97: {  	s17 =	sld [smem:$0x3FFB];
	_ =	sdelay $0x3  }
0x98: {  	_ =	strace s17  }
0x99: {  	s3 =	sld [smem:$0x3FFC];
	_ =	sdelay $0x3  }
0x9a: {  	_ =	strace s3  }
0x9b: {  	s3 =	sld [smem:$0x3FFD];
	_ =	sdelay $0x3  }
0x9c: {  	_ =	strace s3  }
0x9d: {  	_ =	strace $0x8FFFFFFF  }
0x9e: {  	s18 =	sld [smem:$0x3FDB];
	_ =	sdelay $0x1  }
0x9f: {  	s19 =	simm.s32 $_scs_section_size  }
0xa0: {  	s5 =	simm.s32 $_size__tile_overlayer_lowered;
	s6 =	simm.s32 $_tile_overlayer_lowered  }
0xa1: {  	s22 =	simm.s32 $0x1BFF;
	s21 =	sshll.u32 s6, $0x1;
	s3 =	sadd.s32 s19, s18  }
0xa2: {  	s7 =	simm.s32 $0x0;
	s20 =	sshll.u32 s5, $0x1;
	s5 =	sadd.s32 s21, s3  }
0xa3: {  	[timem:s7], [sflag:s22] =	dma.local [hbm:s5], s20  }
0xa4: {  	_ =	swait.ge [sflag:s22], s20  }
0xa5: {  	s4 =	ssub.s32 $0x0, s20;
	[sflag:s22] =	ssyncset.done $0x0  }
0xa6: {  	[sflag:s22] =	ssyncadd.s32 s4;
	_ =	sdelay $0x1  }
0xa7: {  	s23 =	simm.s32 $0x1B8B  }
0xa8: {  	_ =	swait.ge [sflag:s23], $0x1  }
0xa9: {  	[sflag:s23] =	ssyncset.done $0x0  }
0xaa: {  	s25 =	simm.s32 $0x1B8E;
	s24 =	sld [smem:$0x3FFE];
	[sflag:s23] =	ssyncadd.s32 $0xFFFFFFFF  }
0xab: {  	s26 =	simm.s32 $execute0_lowered;
	[smem:$0x3FD2] =	sst s25  }
0xac: {  	s5 =	sshll.u32 s26, $0x1;
	_ =	strace $0x80000046;
	[dreg:$0x1] =	wrdreg $0xFFFFFFFF  }
0xad: {  	s28 =	simm.s32 $_size_execute0_lowered;
	s3 =	sadd.s32 s3, s5;
	[dreg:$0x0] =	wrdreg $0x0  }
0xae: {  	s5 =	sshll.u32 s28, $0x1;
	[dreg:$0x2] =	wrdreg s3  }
0xaf: {  	[dreg:$0x3] =	wrdreg s5  }
0xb0: {  	[dreg:$0x4] =	wrdreg $0xC0  }
0xb1: {  	_ =	task [dreg:s7], $0x5FFFF  }
0xb2: {  	[dreg:$0x1] =	wrdreg $0xFFFFFFFF  }
0xb3: {  	[dreg:$0x0] =	wrdreg $0x60  }
0xb4: {  	[dreg:$0x2] =	wrdreg s16  }
0xb5: {  	[dreg:$0x3] =	wrdreg s24  }
0xb6: {  	[dreg:$0x4] =	wrdreg $0xB8000  }
0xb7: {  	[dreg:$0x5] =	wrdreg $0x9  }
0xb8: {  	_ =	task.clear_ibuf [dreg:s7], $0x6FFFF;
	_ =	strace $0x90000046  }
0xb9: {  	s29 =	simm.s32 $0x9;
	_ =	strace $0x80000048  }
0xba: {  	_ =	swait.ge [sflag:s29], $0x1  }
0xbb: {  	[sflag:s29] =	ssyncadd.s32 $0xFFFFFFFF  }
0xbc: {  	_ =	strace $0x90000048  }
0xbd: {  	_ =	sfence  }
0xbe: {  	s30 =	sld [smem:$0x0];
	_ =	sdelay $0x2  }
0xbf: {  	s31 =	sshll.u32 s1, $0xD;
	s1 =	sshrl.u32 s1, $0x2  }
0xc0: {  	s3 =	sand.u32 $0x4000, s31;
	s1 =	sadd.s32 s1, s30  }
0xc1: {  	s0 =	sor.u32 s3, s0;
	s1 =	sshll.u32 s1, $0x11  }
0xc2: {  	s0 =	sor.u32 s1, s0  }
0xc3: {  	s0 =	sadd.s32 $0x8F2B, s0  }
0xc4: {  	[sflag:s0] =	ssyncadd.remote.s32 $0x1  }
0xc5: {  	_ =	sfence.sel $0xFFFF  }
0xc6: {  	[dreg:$0x0] =	wrdreg $0xFFFFFFFF;
	(pc) =	sbr.abs _section_cstart, $3  }
0xc7: {  	[dreg:$0x1] =	wrdreg $0xFFFFFFFF  }
0xc8: {  	_ =	task.clear_ibuf [dreg:s7], $0x2FFFF;
	_ =	strace $0x9FFFFFFF  }
0xc9: {  	(tm) =	ssettm $0x7FFFFFFF  }
tec
execute0_lowered:
.L_overlay_start_1:
0x0: {  	(tag) =	ssettag $0x1  }
0x1: {  	s1 =	rddreg [dreg:$0x0]  }
0x2: {  	s5 =	rddreg [dreg:$0x1]  }
0x3: {  	s0 =	srdreg.scid;
	s3 =	rddreg [dreg:$0x2]  }
0x4: {  	s2 =	rddreg [dreg:$0x3];
	s7 =	sand.u32 $0x1, s0  }
0x5: {  	s0 =	stileid.u32;
	s6 =	smul.u32 $0x3C000, s7  }
0x6: {  	s4 =	simm.s32 $0x0;
	s15 =	simm.s32 $0x7800;
	s8 =	smul.u32 $0x3C00, s0  }
0x7: {  	s16 =	simm.s32 $0x1;
	[smem:$0x7FF] =	sst s4;
	s28 =	smul.u32 $0x13C00, s0  }
0x8: {  	s17 =	simm.s32 $0x0;
	s9 =	smul.u32 $0x13C000, s7;
	_ =	strace $0x80000047  }
0x9: {  	s29 =	ssub.s32 $0x2, s7;
	s12 =	smul.u32 $0x4F000, s0;
	p0 =	seq.s32 s7, $0x0  }
0xa: {  	s7 =	simm.s32 $0x76;
	s31 =	sshll.u32 s0, $0x6;
	s11 =	sshrl.u32 s29, $0x1  }
0xb: {  	s7 =	simm.s32 @!p0 $0x28;
	s6 =	sadd.s32 s8, s6;
	s10 =	sshrl.u32 s28, $0x3  }
0xc: {  	s8 =	sadd.s32 s28, s9;
	s11 =	ssub.s32 s29, s11;
	s30 =	sshrl.u32 s12, $0x2  }
0xd: {  	s12 =	sor.u32 $0x1C02, s31;
	s6 =	sshrl.u32 s6, $0x3;
	s8 =	sshrl.u32 s8, $0x3  }
0xe: {  	s10 =	sadd.s32 s10, s5;
	s14 =	sadd.s32 s30, s3;
	s6 =	sadd.s32 s6, s5  }
0xf: {  	s13 =	sadd.s32 s8, s5;
	s8 =	sadd.s32 $0x1F000, s10;
	s10 =	smax.u32 s11, $0x1  }
0x10: {  	s11 =	simm.s32 $0x2;
	s5 =	sadd.s32 $0x10000, s6;
	s6 =	sadd.s32 $0x1000, s6  }
0x11: {  	s9 =	sadd.s32 $0x46800, s13;
	s13 =	sshrl.u32 s14, $0x3;
	s14 =	simm.s32 $0x80  }
.LBB2_1:
0x12: {  	[tilespmem:s4], [sflag:$0x2] =	stream.linear.gather [hbm4b:s5+s4], $0x3B00, $0x38;
	[tilespmem:$0x1F400] =	vst v63  }
0x13: {  	_ =	swait.ge [sflag:s11], $0x3B00  }
0x14: {  	[sflag:s11] =	ssyncset.done $0x0  }
0x15: {  	s18 =	simm.s32 $0x3C00;
	[sflag:s11] =	ssyncadd.s32 $0xFFFFC500  }
0x16: {  	[tilespmem:s18], [sflag:$0x2] =	stream.linear.gather [hbm4b:s6+s4], $0x3B00, $0x38;
	[tilespmem:$0x1F400] =	vst v63  }
0x17: {  	_ =	swait.ge [sflag:s11], $0x3B00  }
0x18: {  	[sflag:s11] =	ssyncset.done $0x0  }
0x19: {  	[sflag:s11] =	ssyncadd.s32 $0xFFFFC500  }
0x1a: {  	[spmem:s13], [sflag:s12] =	dma.local [hbm:s8], $0x2780  }
0x1b: {  	_ =	swait.ge [sflag:s11], $0x2780  }
0x1c: {  	[sflag:s11] =	ssyncset.done $0x0  }
0x1d: {  	[sflag:s11] =	ssyncadd.s32 $0xFFFFD880  }
0x1e: {  	[bflag:$0x0] =	sbarrier.arrive $0xFFFF  }
0x1f: {  	[tilespmem:s15], [sflag:$0x1] =	stream.indirect.gather [hbm4b:s1+s14], $0x80, s4, s14, $0xb8;
	[tilespmem:$0x1F400] =	vst v63  }
0x20: {  	p0 =	sne.s32 s7, $0x1;
	_ =	swait.ge [sflag:s16], $0x4000  }
.Ltmp0:
0x21: {  	[sflag:s16] =	ssyncset.done $0x0;
	(pc) =	sbr.rel @!p0 .LBB2_3-.Ltmp0, $4  }
0x22: {  	[sflag:s16] =	ssyncadd.s32 $0xFFFFC000  }
0x23: {  	[spmem:s3] =	stream.indirect.scatter.add.f32 [tilespmem:s15], [sflag:$0x2], $0x80, s18, s14, $0xb8;
	[tilespmem:$0x1F400] =	vst v63  }
0x24: {  	_ =	swait.ge [sflag:s11], $0x4000  }
0x25: {  	s19 =	sadd.s32 $0xFFFFFFFF, s7;
	s20 =	simm.s32 $0x0;
	[sflag:s11] =	ssyncset.done $0x0  }
.LBB2_2:
0x26: {  	[sflag:s11] =	ssyncadd.s32 $0xFFFFC000;
	s20 =	sadd.s32 $0x80, s20;
	s18 =	sadd.s32 $0x80, s18  }
0x27: {  	[tilespmem:s15], [sflag:$0x1] =	stream.indirect.gather [hbm4b:s1+s14], $0x80, s20, s14, $0xb8;
	[tilespmem:$0x1F400] =	vst v63  }
0x28: {  	p0 =	sne.s32 s19, $0x1;
	s19 =	sadd.s32 $0xFFFFFFFF, s19;
	_ =	swait.ge [sflag:s16], $0x4000  }
.Ltmp1:
0x29: {  	[sflag:s16] =	ssyncset.done $0x0;
	(pc) =	sbr.rel @p0 .LBB2_2-.Ltmp1, $4  }
0x2a: {  	[sflag:s16] =	ssyncadd.s32 $0xFFFFC000  }
0x2b: {  	[spmem:s3] =	stream.indirect.scatter.add.f32 [tilespmem:s15], [sflag:$0x2], $0x80, s18, s14, $0xb8;
	[tilespmem:$0x1F400] =	vst v63  }
0x2c: {  	_ =	swait.ge [sflag:s11], $0x4000  }
0x2d: {  	[sflag:s11] =	ssyncset.done $0x0  }
.LBB2_3:
0x2e: {  	s17 =	sadd.s32 $0x1, s17  }
0x2f: {  	[sflag:s11] =	ssyncadd.s32 $0xFFFFC000;
	p0 =	sne.s32 s17, s10  }
.Ltmp2:
0x30: {  	[bflag:$0x0] =	sbarrier.arrive $0xFFFF;
	(pc) =	sbr.rel @p0 .LBB2_1-.Ltmp2, $4  }
0x31: {  	[hbm:s9], [sflag:s12] =	dma.local [spmem:s13], $0x2780  }
0x32: {  	_ =	swait.ge [sflag:s11], $0x2780  }
0x33: {  	[sflag:s11] =	ssyncset.done $0x0  }
0x34: {  	[sflag:s11] =	ssyncadd.s32 $0xFFFFD880  }
0x35: {  	_ =	sfence.sel $0x180000  }
0x36: {  	[bflag:$0x0] =	sbarrier.arrive $0xFFFF  }
0x37: {  	p0 =	sne.s32 s0, $0x0;
	_ =	strace $0x90000047  }
0x38: {  	s0 =	sadd.s32 @!p0 $0x100000, s2;
	[bflag:$0x2] =	sbarrier.arrive $0xFFFF  }
0x39: {  	[sflag:s0] =	ssyncadd.tile.s32 @!p0 $0x1;
	_ =	shalt  }
.Lfunc_end2:
_tile_overlayer_lowered:
.L_overlay_start_2:
0x3a: {  	(tag) =	ssettag $0x2  }
0x3b: {  	s0 =	rddreg [dreg:$0x0];
	s2 =	stileid.u32  }
0x3c: {  	s1 =	rddreg [dreg:$0x1];
	p0 =	sne.s32 s2, $0x0  }
0x3d: {  	s3 =	rddreg [dreg:$0x2];
	[bflag:$0x3] =	sbarrier.arrive $0xFFFF;
	s2 =	simm.s32 @!p0 $0x1C02  }
0x3e: {  	[timem:s3], [sflag:s2] =	dma.local @!p0 [hbm:s0], s1  }
0x3f: {  	s0 =	simm.s32 @!p0 $0x2  }
0x40: {  	_ =	swait.ge @!p0 [sflag:s0], s1  }
0x41: {  	s1 =	ssub.s32 @!p0 $0x0, s1;
	[sflag:s0] =	ssyncset.done @!p0 $0x0  }
0x42: {  	[sflag:s0] =	ssyncadd.s32 @!p0 s1  }
0x43: {  	[bflag:$0x3] =	sbarrier.arrive $0xFFFF  }
0x44: {  	_ =	shalt  }

</sc_bundles>
